<compile_context>
chip_gen: v7x
topology: tpu7x:2x2x1
jax: 0.10.2.dev20260603
libtpu: 0.0.44.dev20260713+nightly
codegen_flags: <defaults>
</compile_context>

<pallas_src>
import functools

import jax
import jax.numpy as jnp
from jax import lax
from jax.experimental import pallas as pl
from jax.experimental.pallas import tpu as pltpu
from jax.experimental.pallas import tpu_sc as plsc

NUM_CLS = 7
BATCH = 16384
SMOOTHING = 0.1
CONFIDENCE = 1.0 - SMOOTHING
SMOOTH_VAL = SMOOTHING / (NUM_CLS - 1)

NUM_WORKERS = 32
B_PER_W = BATCH // NUM_WORKERS
W_PER_W = B_PER_W * NUM_CLS
LANES = 16
GROUPS = B_PER_W // LANES

_mesh = plsc.VectorSubcoreMesh(core_axis_name="c", subcore_axis_name="s")


def _smooth_body(tgt_hbm, out_hbm, tgt_v, out_v):
    wid = lax.axis_index("s") * 2 + lax.axis_index("c")
    pltpu.sync_copy(tgt_hbm.at[pl.ds(wid * B_PER_W, B_PER_W)], tgt_v)

    smooth_v = jnp.full((LANES,), SMOOTH_VAL, jnp.float32)
    conf_v = jnp.full((LANES,), CONFIDENCE, jnp.float32)
    row_off = lax.iota(jnp.int32, LANES) * NUM_CLS

    def body(j, _):
        off = j * (LANES * NUM_CLS)
        for k in range(NUM_CLS):
            out_v[pl.ds(off + k * LANES, LANES)] = smooth_v
        tgt = tgt_v[pl.ds(j * LANES, LANES)]
        plsc.store_scatter(out_v, [off + row_off + tgt], conf_v)
        return 0

    lax.fori_loop(0, GROUPS, body, 0, unroll=4)
    pltpu.sync_copy(out_v, out_hbm.at[pl.ds(wid * W_PER_W, W_PER_W)])


_smooth_kernel = functools.partial(
    pl.kernel,
    out_type=jax.ShapeDtypeStruct((BATCH * NUM_CLS,), jnp.float32),
    mesh=_mesh,
    scratch_types=[
        pltpu.VMEM((B_PER_W,), jnp.int32),
        pltpu.VMEM((W_PER_W,), jnp.float32),
    ],
    compiler_params=pltpu.CompilerParams(needs_layout_passes=False),
)(_smooth_body)


def kernel(targets):
    out = _smooth_kernel(targets.astype(jnp.int32))
    return out.reshape(BATCH, NUM_CLS)

# --- scband reference (transcript-rebuilt; emitter-appended) ---
"""Pipeline reference for scband-phase-label-smoothing-36953898615303 (READ-ONLY COPY).

The authoritative reference and input builder live on the scoring server;
editing this copy changes nothing except your own understanding.
"""

import jax, jax.numpy as jnp
import numpy as np

NUM_CLS = 7
BATCH = 16384

def setup_inputs(seed: int = 0) -> dict:
    key = jax.random.key(seed)
    targets = jax.random.randint(key, (BATCH,), 0, NUM_CLS, dtype=jnp.int64 if jax.config.jax_enable_x64 else jnp.int32)
    return {"targets": targets}

def reference(targets):
    smoothing = 0.1
    confidence = 1.0 - smoothing
    b = targets.shape[0]
    target_vectors = jnp.full((b, NUM_CLS), smoothing / (NUM_CLS - 1), dtype=jnp.float32)
    # torch scatter_(1, targets.unsqueeze(1), confidence): overwrite one entry per row
    target_vectors = target_vectors.at[jnp.arange(b), targets].set(confidence)
    return target_vectors

if __name__ == "__main__":
    import jax
    _d = setup_inputs()
    print(jax.jit(kernel)(*tuple(_d.values())))

</pallas_src>

<mosaic_0001>
#map = affine_map<(d0, d1) -> (0)>
module attributes {stable_mosaic.version = 14 : i64} {
  func.func @_smooth_body(%arg0: i32, %arg1: i32, %arg2: memref<16384xi32, #tpu.memory_space<hbm>>, %arg3: memref<114688xf32, #tpu.memory_space<hbm>>, %arg4: memref<512xi32, #tpu.memory_space<vmem>>, %arg5: memref<3584xf32, #tpu.memory_space<vmem>>) attributes {dimension_semantics = [#tpu.dimension_semantics<core_parallel>, #tpu.dimension_semantics<subcore_parallel>], iteration_bounds = array<i64: 2, 16>, scalar_prefetch = 0 : i64, scratch_operands = 2 : i64, tpu.core_type = #tpu.core_type<sc_vector_subcore>, window_params = [{transform_indices = #map}, {transform_indices = #map}]} {
    %mul3A = arith.constant 2 : i32
    %mul3A_0 = arith.muli %arg1, %mul3A : i32
    %add3A = arith.addi %mul3A_0, %arg0 : i32
    %mul3A_1 = arith.constant 512 : i32
    %mul3A_2 = arith.muli %add3A, %mul3A_1 : i32
    "tpu.region"() ({
      %run_scoped3A = tpu.sem_alloc : memref<!tpu.dma_semaphore, #tpu.memory_space<semaphore_mem>>
      %dma_start3A = tpu.memref_slice %arg2[%mul3A_2] : memref<16384xi32, #tpu.memory_space<hbm>> -> memref<512xi32, #tpu.memory_space<hbm>>
      %dma_start3A_17 = tpu.memref_slice %arg2[%mul3A_2] : memref<16384xi32, #tpu.memory_space<hbm>> -> memref<512xi32, #tpu.memory_space<hbm>>
      tpu.enqueue_dma source(%dma_start3A_17 : memref<512xi32, #tpu.memory_space<hbm>>) target(%arg4 : memref<512xi32, #tpu.memory_space<vmem>>) target_semaphore(%run_scoped3A : memref<!tpu.dma_semaphore, #tpu.memory_space<semaphore_mem>>)
      %dma_wait3A = tpu.memref_slice %arg2[%mul3A_2] : memref<16384xi32, #tpu.memory_space<hbm>> -> memref<512xi32, #tpu.memory_space<hbm>>
      %dma_wait3A_18 = tpu.memref_slice %arg2[%mul3A_2] : memref<16384xi32, #tpu.memory_space<hbm>> -> memref<512xi32, #tpu.memory_space<hbm>>
      tpu.wait_dma2 semaphore(%run_scoped3A : memref<!tpu.dma_semaphore, #tpu.memory_space<semaphore_mem>>) src(%dma_wait3A_18 : memref<512xi32, #tpu.memory_space<hbm>>) dst(%arg4 : memref<512xi32, #tpu.memory_space<vmem>>)
      tpu.yield
    }) : () -> ()
    %broadcast_in_dim3A = arith.constant 0.0166666675 : f32
    %broadcast_in_dim3A_3 = vector.broadcast %broadcast_in_dim3A : f32 to vector<16xf32>
    %broadcast_in_dim3A_4 = arith.constant 0.899999976 : f32
    %broadcast_in_dim3A_5 = vector.broadcast %broadcast_in_dim3A_4 : f32 to vector<16xf32>
    %iota3A = tpu.iota {dimensions = array<i32: 0>} : vector<16xi32>
    %mul3A_6 = arith.constant 7 : i32
    %mul3A_7 = vector.broadcast %mul3A_6 : i32 to vector<16xi32>
    %mul3A_8 = arith.muli %iota3A, %mul3A_7 : vector<16xi32>
    %scan3A = arith.constant 0 : i32
    %scan3A_9 = arith.constant 0 : i32
    %scan3A_10 = arith.constant 32 : i32
    %scan3A_11 = arith.addi %scan3A_9, %scan3A_10 : i32
    %scan3A_12 = arith.constant 4 : i32
    %scan3A_13 = scf.for %scan3A_17 = %scan3A_9 to %scan3A_11 step %scan3A_12 iter_args(%scan3A_18 = %scan3A) -> (i32)  : i32 {
      %mul3A_19 = arith.constant 112 : i32
      %mul3A_20 = arith.muli %scan3A_17, %mul3A_19 : i32
      %add3A_21 = arith.constant 0 : i32
      %add3A_22 = arith.addi %mul3A_20, %add3A_21 : i32
      %swap3A = arith.index_cast %add3A_22 : i32 to index
      %swap3A_23 = tpu.vector_load %arg5[%swap3A] {strides = array<i32>} : memref<3584xf32, #tpu.memory_space<vmem>>, vector<16xf32>,
      tpu.vector_store %arg5[%swap3A], %broadcast_in_dim3A_3 {strides = array<i32>} : memref<3584xf32, #tpu.memory_space<vmem>>, vector<16xf32>,
      %add3A_24 = arith.constant 16 : i32
      %add3A_25 = arith.addi %mul3A_20, %add3A_24 : i32
      %swap3A_26 = arith.index_cast %add3A_25 : i32 to index
      %swap3A_27 = tpu.vector_load %arg5[%swap3A_26] {strides = array<i32>} : memref<3584xf32, #tpu.memory_space<vmem>>, vector<16xf32>,
      tpu.vector_store %arg5[%swap3A_26], %broadcast_in_dim3A_3 {strides = array<i32>} : memref<3584xf32, #tpu.memory_space<vmem>>, vector<16xf32>,
      %add3A_28 = arith.constant 32 : i32
      %add3A_29 = arith.addi %mul3A_20, %add3A_28 : i32
      %swap3A_30 = arith.index_cast %add3A_29 : i32 to index
      %swap3A_31 = tpu.vector_load %arg5[%swap3A_30] {strides = array<i32>} : memref<3584xf32, #tpu.memory_space<vmem>>, vector<16xf32>,
      tpu.vector_store %arg5[%swap3A_30], %broadcast_in_dim3A_3 {strides = array<i32>} : memref<3584xf32, #tpu.memory_space<vmem>>, vector<16xf32>,
      %add3A_32 = arith.constant 48 : i32
      %add3A_33 = arith.addi %mul3A_20, %add3A_32 : i32
      %swap3A_34 = arith.index_cast %add3A_33 : i32 to index
      %swap3A_35 = tpu.vector_load %arg5[%swap3A_34] {strides = array<i32>} : memref<3584xf32, #tpu.memory_space<vmem>>, vector<16xf32>,
      tpu.vector_store %arg5[%swap3A_34], %broadcast_in_dim3A_3 {strides = array<i32>} : memref<3584xf32, #tpu.memory_space<vmem>>, vector<16xf32>,
      %add3A_36 = arith.constant 64 : i32
      %add3A_37 = arith.addi %mul3A_20, %add3A_36 : i32
      %swap3A_38 = arith.index_cast %add3A_37 : i32 to index
      %swap3A_39 = tpu.vector_load %arg5[%swap3A_38] {strides = array<i32>} : memref<3584xf32, #tpu.memory_space<vmem>>, vector<16xf32>,
      tpu.vector_store %arg5[%swap3A_38], %broadcast_in_dim3A_3 {strides = array<i32>} : memref<3584xf32, #tpu.memory_space<vmem>>, vector<16xf32>,
      %add3A_40 = arith.constant 80 : i32
      %add3A_41 = arith.addi %mul3A_20, %add3A_40 : i32
      %swap3A_42 = arith.index_cast %add3A_41 : i32 to index
      %swap3A_43 = tpu.vector_load %arg5[%swap3A_42] {strides = array<i32>} : memref<3584xf32, #tpu.memory_space<vmem>>, vector<16xf32>,
      tpu.vector_store %arg5[%swap3A_42], %broadcast_in_dim3A_3 {strides = array<i32>} : memref<3584xf32, #tpu.memory_space<vmem>>, vector<16xf32>,
      %add3A_44 = arith.constant 96 : i32
      %add3A_45 = arith.addi %mul3A_20, %add3A_44 : i32
      %swap3A_46 = arith.index_cast %add3A_45 : i32 to index
      %swap3A_47 = tpu.vector_load %arg5[%swap3A_46] {strides = array<i32>} : memref<3584xf32, #tpu.memory_space<vmem>>, vector<16xf32>,
      tpu.vector_store %arg5[%swap3A_46], %broadcast_in_dim3A_3 {strides = array<i32>} : memref<3584xf32, #tpu.memory_space<vmem>>, vector<16xf32>,
      %mul3A_48 = arith.constant 16 : i32
      %mul3A_49 = arith.muli %scan3A_17, %mul3A_48 : i32
      %get3A = arith.index_cast %mul3A_49 : i32 to index
      %get3A_50 = tpu.vector_load %arg4[%get3A] {strides = array<i32>} : memref<512xi32, #tpu.memory_space<vmem>>, vector<16xi32>,
      %add3A_51 = vector.broadcast %mul3A_20 : i32 to vector<16xi32>
      %add3A_52 = arith.addi %add3A_51, %mul3A_8 : vector<16xi32>
      %add3A_53 = arith.addi %add3A_52, %get3A_50 : vector<16xi32>
      tpu.vector_store_idx %arg5[%add3A_53], %broadcast_in_dim3A_5 : memref<3584xf32, #tpu.memory_space<vmem>>[vector<16xi32>], vector<16xf32>,
      %scan3A_54 = arith.constant 0 : i32
      %scan3A_55 = arith.constant 1 : i32
      %scan3A_56 = arith.addi %scan3A_17, %scan3A_55 : i32
      %mul3A_57 = arith.constant 112 : i32
      %mul3A_58 = arith.muli %scan3A_56, %mul3A_57 : i32
      %add3A_59 = arith.constant 0 : i32
      %add3A_60 = arith.addi %mul3A_58, %add3A_59 : i32
      %swap3A_61 = arith.index_cast %add3A_60 : i32 to index
      %swap3A_62 = tpu.vector_load %arg5[%swap3A_61] {strides = array<i32>} : memref<3584xf32, #tpu.memory_space<vmem>>, vector<16xf32>,
      tpu.vector_store %arg5[%swap3A_61], %broadcast_in_dim3A_3 {strides = array<i32>} : memref<3584xf32, #tpu.memory_space<vmem>>, vector<16xf32>,
      %add3A_63 = arith.constant 16 : i32
      %add3A_64 = arith.addi %mul3A_58, %add3A_63 : i32
      %swap3A_65 = arith.index_cast %add3A_64 : i32 to index
      %swap3A_66 = tpu.vector_load %arg5[%swap3A_65] {strides = array<i32>} : memref<3584xf32, #tpu.memory_space<vmem>>, vector<16xf32>,
      tpu.vector_store %arg5[%swap3A_65], %broadcast_in_dim3A_3 {strides = array<i32>} : memref<3584xf32, #tpu.memory_space<vmem>>, vector<16xf32>,
      %add3A_67 = arith.constant 32 : i32
      %add3A_68 = arith.addi %mul3A_58, %add3A_67 : i32
      %swap3A_69 = arith.index_cast %add3A_68 : i32 to index
      %swap3A_70 = tpu.vector_load %arg5[%swap3A_69] {strides = array<i32>} : memref<3584xf32, #tpu.memory_space<vmem>>, vector<16xf32>,
      tpu.vector_store %arg5[%swap3A_69], %broadcast_in_dim3A_3 {strides = array<i32>} : memref<3584xf32, #tpu.memory_space<vmem>>, vector<16xf32>,
      %add3A_71 = arith.constant 48 : i32
      %add3A_72 = arith.addi %mul3A_58, %add3A_71 : i32
      %swap3A_73 = arith.index_cast %add3A_72 : i32 to index
      %swap3A_74 = tpu.vector_load %arg5[%swap3A_73] {strides = array<i32>} : memref<3584xf32, #tpu.memory_space<vmem>>, vector<16xf32>,
      tpu.vector_store %arg5[%swap3A_73], %broadcast_in_dim3A_3 {strides = array<i32>} : memref<3584xf32, #tpu.memory_space<vmem>>, vector<16xf32>,
      %add3A_75 = arith.constant 64 : i32
      %add3A_76 = arith.addi %mul3A_58, %add3A_75 : i32
      %swap3A_77 = arith.index_cast %add3A_76 : i32 to index
      %swap3A_78 = tpu.vector_load %arg5[%swap3A_77] {strides = array<i32>} : memref<3584xf32, #tpu.memory_space<vmem>>, vector<16xf32>,
      tpu.vector_store %arg5[%swap3A_77], %broadcast_in_dim3A_3 {strides = array<i32>} : memref<3584xf32, #tpu.memory_space<vmem>>, vector<16xf32>,
      %add3A_79 = arith.constant 80 : i32
      %add3A_80 = arith.addi %mul3A_58, %add3A_79 : i32
      %swap3A_81 = arith.index_cast %add3A_80 : i32 to index
      %swap3A_82 = tpu.vector_load %arg5[%swap3A_81] {strides = array<i32>} : memref<3584xf32, #tpu.memory_space<vmem>>, vector<16xf32>,
      tpu.vector_store %arg5[%swap3A_81], %broadcast_in_dim3A_3 {strides = array<i32>} : memref<3584xf32, #tpu.memory_space<vmem>>, vector<16xf32>,
      %add3A_83 = arith.constant 96 : i32
      %add3A_84 = arith.addi %mul3A_58, %add3A_83 : i32
      %swap3A_85 = arith.index_cast %add3A_84 : i32 to index
      %swap3A_86 = tpu.vector_load %arg5[%swap3A_85] {strides = array<i32>} : memref<3584xf32, #tpu.memory_space<vmem>>, vector<16xf32>,
      tpu.vector_store %arg5[%swap3A_85], %broadcast_in_dim3A_3 {strides = array<i32>} : memref<3584xf32, #tpu.memory_space<vmem>>, vector<16xf32>,
      %mul3A_87 = arith.constant 16 : i32
      %mul3A_88 = arith.muli %scan3A_56, %mul3A_87 : i32
      %get3A_89 = arith.index_cast %mul3A_88 : i32 to index
      %get3A_90 = tpu.vector_load %arg4[%get3A_89] {strides = array<i32>} : memref<512xi32, #tpu.memory_space<vmem>>, vector<16xi32>,
      %add3A_91 = vector.broadcast %mul3A_58 : i32 to vector<16xi32>
      %add3A_92 = arith.addi %add3A_91, %mul3A_8 : vector<16xi32>
      %add3A_93 = arith.addi %add3A_92, %get3A_90 : vector<16xi32>
      tpu.vector_store_idx %arg5[%add3A_93], %broadcast_in_dim3A_5 : memref<3584xf32, #tpu.memory_space<vmem>>[vector<16xi32>], vector<16xf32>,
      %scan3A_94 = arith.constant 0 : i32
      %scan3A_95 = arith.constant 2 : i32
      %scan3A_96 = arith.addi %scan3A_17, %scan3A_95 : i32
      %mul3A_97 = arith.constant 112 : i32
      %mul3A_98 = arith.muli %scan3A_96, %mul3A_97 : i32
      %add3A_99 = arith.constant 0 : i32
      %add3A_100 = arith.addi %mul3A_98, %add3A_99 : i32
      %swap3A_101 = arith.index_cast %add3A_100 : i32 to index
      %swap3A_102 = tpu.vector_load %arg5[%swap3A_101] {strides = array<i32>} : memref<3584xf32, #tpu.memory_space<vmem>>, vector<16xf32>,
      tpu.vector_store %arg5[%swap3A_101], %broadcast_in_dim3A_3 {strides = array<i32>} : memref<3584xf32, #tpu.memory_space<vmem>>, vector<16xf32>,
      %add3A_103 = arith.constant 16 : i32
      %add3A_104 = arith.addi %mul3A_98, %add3A_103 : i32
      %swap3A_105 = arith.index_cast %add3A_104 : i32 to index
      %swap3A_106 = tpu.vector_load %arg5[%swap3A_105] {strides = array<i32>} : memref<3584xf32, #tpu.memory_space<vmem>>, vector<16xf32>,
      tpu.vector_store %arg5[%swap3A_105], %broadcast_in_dim3A_3 {strides = array<i32>} : memref<3584xf32, #tpu.memory_space<vmem>>, vector<16xf32>,
      %add3A_107 = arith.constant 32 : i32
      %add3A_108 = arith.addi %mul3A_98, %add3A_107 : i32
      %swap3A_109 = arith.index_cast %add3A_108 : i32 to index
      %swap3A_110 = tpu.vector_load %arg5[%swap3A_109] {strides = array<i32>} : memref<3584xf32, #tpu.memory_space<vmem>>, vector<16xf32>,
      tpu.vector_store %arg5[%swap3A_109], %broadcast_in_dim3A_3 {strides = array<i32>} : memref<3584xf32, #tpu.memory_space<vmem>>, vector<16xf32>,
      %add3A_111 = arith.constant 48 : i32
      %add3A_112 = arith.addi %mul3A_98, %add3A_111 : i32
      %swap3A_113 = arith.index_cast %add3A_112 : i32 to index
      %swap3A_114 = tpu.vector_load %arg5[%swap3A_113] {strides = array<i32>} : memref<3584xf32, #tpu.memory_space<vmem>>, vector<16xf32>,
      tpu.vector_store %arg5[%swap3A_113], %broadcast_in_dim3A_3 {strides = array<i32>} : memref<3584xf32, #tpu.memory_space<vmem>>, vector<16xf32>,
      %add3A_115 = arith.constant 64 : i32
      %add3A_116 = arith.addi %mul3A_98, %add3A_115 : i32
      %swap3A_117 = arith.index_cast %add3A_116 : i32 to index
      %swap3A_118 = tpu.vector_load %arg5[%swap3A_117] {strides = array<i32>} : memref<3584xf32, #tpu.memory_space<vmem>>, vector<16xf32>,
      tpu.vector_store %arg5[%swap3A_117], %broadcast_in_dim3A_3 {strides = array<i32>} : memref<3584xf32, #tpu.memory_space<vmem>>, vector<16xf32>,
      %add3A_119 = arith.constant 80 : i32
      %add3A_120 = arith.addi %mul3A_98, %add3A_119 : i32
      %swap3A_121 = arith.index_cast %add3A_120 : i32 to index
      %swap3A_122 = tpu.vector_load %arg5[%swap3A_121] {strides = array<i32>} : memref<3584xf32, #tpu.memory_space<vmem>>, vector<16xf32>,
      tpu.vector_store %arg5[%swap3A_121], %broadcast_in_dim3A_3 {strides = array<i32>} : memref<3584xf32, #tpu.memory_space<vmem>>, vector<16xf32>,
      %add3A_123 = arith.constant 96 : i32
      %add3A_124 = arith.addi %mul3A_98, %add3A_123 : i32
      %swap3A_125 = arith.index_cast %add3A_124 : i32 to index
      %swap3A_126 = tpu.vector_load %arg5[%swap3A_125] {strides = array<i32>} : memref<3584xf32, #tpu.memory_space<vmem>>, vector<16xf32>,
      tpu.vector_store %arg5[%swap3A_125], %broadcast_in_dim3A_3 {strides = array<i32>} : memref<3584xf32, #tpu.memory_space<vmem>>, vector<16xf32>,
      %mul3A_127 = arith.constant 16 : i32
      %mul3A_128 = arith.muli %scan3A_96, %mul3A_127 : i32
      %get3A_129 = arith.index_cast %mul3A_128 : i32 to index
      %get3A_130 = tpu.vector_load %arg4[%get3A_129] {strides = array<i32>} : memref<512xi32, #tpu.memory_space<vmem>>, vector<16xi32>,
      %add3A_131 = vector.broadcast %mul3A_98 : i32 to vector<16xi32>
      %add3A_132 = arith.addi %add3A_131, %mul3A_8 : vector<16xi32>
      %add3A_133 = arith.addi %add3A_132, %get3A_130 : vector<16xi32>
      tpu.vector_store_idx %arg5[%add3A_133], %broadcast_in_dim3A_5 : memref<3584xf32, #tpu.memory_space<vmem>>[vector<16xi32>], vector<16xf32>,
      %scan3A_134 = arith.constant 0 : i32
      %scan3A_135 = arith.constant 3 : i32
      %scan3A_136 = arith.addi %scan3A_17, %scan3A_135 : i32
      %mul3A_137 = arith.constant 112 : i32
      %mul3A_138 = arith.muli %scan3A_136, %mul3A_137 : i32
      %add3A_139 = arith.constant 0 : i32
      %add3A_140 = arith.addi %mul3A_138, %add3A_139 : i32
      %swap3A_141 = arith.index_cast %add3A_140 : i32 to index
      %swap3A_142 = tpu.vector_load %arg5[%swap3A_141] {strides = array<i32>} : memref<3584xf32, #tpu.memory_space<vmem>>, vector<16xf32>,
      tpu.vector_store %arg5[%swap3A_141], %broadcast_in_dim3A_3 {strides = array<i32>} : memref<3584xf32, #tpu.memory_space<vmem>>, vector<16xf32>,
      %add3A_143 = arith.constant 16 : i32
      %add3A_144 = arith.addi %mul3A_138, %add3A_143 : i32
      %swap3A_145 = arith.index_cast %add3A_144 : i32 to index
      %swap3A_146 = tpu.vector_load %arg5[%swap3A_145] {strides = array<i32>} : memref<3584xf32, #tpu.memory_space<vmem>>, vector<16xf32>,
      tpu.vector_store %arg5[%swap3A_145], %broadcast_in_dim3A_3 {strides = array<i32>} : memref<3584xf32, #tpu.memory_space<vmem>>, vector<16xf32>,
      %add3A_147 = arith.constant 32 : i32
      %add3A_148 = arith.addi %mul3A_138, %add3A_147 : i32
      %swap3A_149 = arith.index_cast %add3A_148 : i32 to index
      %swap3A_150 = tpu.vector_load %arg5[%swap3A_149] {strides = array<i32>} : memref<3584xf32, #tpu.memory_space<vmem>>, vector<16xf32>,
      tpu.vector_store %arg5[%swap3A_149], %broadcast_in_dim3A_3 {strides = array<i32>} : memref<3584xf32, #tpu.memory_space<vmem>>, vector<16xf32>,
      %add3A_151 = arith.constant 48 : i32
      %add3A_152 = arith.addi %mul3A_138, %add3A_151 : i32
      %swap3A_153 = arith.index_cast %add3A_152 : i32 to index
      %swap3A_154 = tpu.vector_load %arg5[%swap3A_153] {strides = array<i32>} : memref<3584xf32, #tpu.memory_space<vmem>>, vector<16xf32>,
      tpu.vector_store %arg5[%swap3A_153], %broadcast_in_dim3A_3 {strides = array<i32>} : memref<3584xf32, #tpu.memory_space<vmem>>, vector<16xf32>,
      %add3A_155 = arith.constant 64 : i32
      %add3A_156 = arith.addi %mul3A_138, %add3A_155 : i32
      %swap3A_157 = arith.index_cast %add3A_156 : i32 to index
      %swap3A_158 = tpu.vector_load %arg5[%swap3A_157] {strides = array<i32>} : memref<3584xf32, #tpu.memory_space<vmem>>, vector<16xf32>,
      tpu.vector_store %arg5[%swap3A_157], %broadcast_in_dim3A_3 {strides = array<i32>} : memref<3584xf32, #tpu.memory_space<vmem>>, vector<16xf32>,
      %add3A_159 = arith.constant 80 : i32
      %add3A_160 = arith.addi %mul3A_138, %add3A_159 : i32
      %swap3A_161 = arith.index_cast %add3A_160 : i32 to index
      %swap3A_162 = tpu.vector_load %arg5[%swap3A_161] {strides = array<i32>} : memref<3584xf32, #tpu.memory_space<vmem>>, vector<16xf32>,
      tpu.vector_store %arg5[%swap3A_161], %broadcast_in_dim3A_3 {strides = array<i32>} : memref<3584xf32, #tpu.memory_space<vmem>>, vector<16xf32>,
      %add3A_163 = arith.constant 96 : i32
      %add3A_164 = arith.addi %mul3A_138, %add3A_163 : i32
      %swap3A_165 = arith.index_cast %add3A_164 : i32 to index
      %swap3A_166 = tpu.vector_load %arg5[%swap3A_165] {strides = array<i32>} : memref<3584xf32, #tpu.memory_space<vmem>>, vector<16xf32>,
      tpu.vector_store %arg5[%swap3A_165], %broadcast_in_dim3A_3 {strides = array<i32>} : memref<3584xf32, #tpu.memory_space<vmem>>, vector<16xf32>,
      %mul3A_167 = arith.constant 16 : i32
      %mul3A_168 = arith.muli %scan3A_136, %mul3A_167 : i32
      %get3A_169 = arith.index_cast %mul3A_168 : i32 to index
      %get3A_170 = tpu.vector_load %arg4[%get3A_169] {strides = array<i32>} : memref<512xi32, #tpu.memory_space<vmem>>, vector<16xi32>,
      %add3A_171 = vector.broadcast %mul3A_138 : i32 to vector<16xi32>
      %add3A_172 = arith.addi %add3A_171, %mul3A_8 : vector<16xi32>
      %add3A_173 = arith.addi %add3A_172, %get3A_170 : vector<16xi32>
      tpu.vector_store_idx %arg5[%add3A_173], %broadcast_in_dim3A_5 : memref<3584xf32, #tpu.memory_space<vmem>>[vector<16xi32>], vector<16xf32>,
      %scan3A_174 = arith.constant 0 : i32
      scf.yield %scan3A_174 : i32
    }
    %scan3A_14 = arith.constant 32 : i32
    %mul3A_15 = arith.constant 3584 : i32
    %mul3A_16 = arith.muli %add3A, %mul3A_15 : i32
    "tpu.region"() ({
      %run_scoped3A = tpu.sem_alloc : memref<!tpu.dma_semaphore, #tpu.memory_space<semaphore_mem>>
      %dma_start3A = tpu.memref_slice %arg3[%mul3A_16] : memref<114688xf32, #tpu.memory_space<hbm>> -> memref<3584xf32, #tpu.memory_space<hbm>>
      %dma_start3A_17 = tpu.memref_slice %arg3[%mul3A_16] : memref<114688xf32, #tpu.memory_space<hbm>> -> memref<3584xf32, #tpu.memory_space<hbm>>
      tpu.enqueue_dma source(%arg5 : memref<3584xf32, #tpu.memory_space<vmem>>) target(%dma_start3A_17 : memref<3584xf32, #tpu.memory_space<hbm>>) target_semaphore(%run_scoped3A : memref<!tpu.dma_semaphore, #tpu.memory_space<semaphore_mem>>)
      %dma_wait3A = tpu.memref_slice %arg3[%mul3A_16] : memref<114688xf32, #tpu.memory_space<hbm>> -> memref<3584xf32, #tpu.memory_space<hbm>>
      %dma_wait3A_18 = tpu.memref_slice %arg3[%mul3A_16] : memref<114688xf32, #tpu.memory_space<hbm>> -> memref<3584xf32, #tpu.memory_space<hbm>>
      tpu.wait_dma2 semaphore(%run_scoped3A : memref<!tpu.dma_semaphore, #tpu.memory_space<semaphore_mem>>) src(%arg5 : memref<3584xf32, #tpu.memory_space<vmem>>) dst(%dma_wait3A_18 : memref<3584xf32, #tpu.memory_space<hbm>>)
      tpu.yield
    }) : () -> ()
    return
  }
}

</mosaic_0001>

<sc_bundles>
// kernel: kernel.3.cloned.1.call-start
scs
__scs_entry_jumppad:
0x0: {  	(pc) =	sbr.rel $0x88, $3  }
0x1: {  	(tag) =	ssettag $0x0;
	lr =	simm.s32 $0x1  }
0x2: {  	[smem:$0x3FA0] =	sst lr;
	_ =	strace $0xD0000000  }
0x3: {  	_ = 	snop  }
0x4: {  	_ = 	snop  }
0x5: {  	_ = 	snop  }
0x6: {  	_ = 	snop  }
0x7: {  	_ = 	snop  }
__scs_overlays_trampoline_lowered:
0x8: {  	[smem:$0x3FAF] =	sst s0  }
0x9: {  	[smem:$0x3FB0] =	sst s1  }
0xa: {  	[smem:$0x3FB1] =	sst s2  }
0xb: {  	[smem:$0x3FB2] =	sst s3  }
0xc: {  	[smem:$0x3FB3] =	sst s4  }
0xd: {  	[smem:$0x3FB4] =	sst s5  }
0xe: {  	[smem:$0x3FB5] =	sst s6  }
0xf: {  	[smem:$0x3FB6] =	sst s7  }
0x10: {  	[smem:$0x3FB7] =	sst s8  }
0x11: {  	[smem:$0x3FB8] =	sst s9;
	s0 =	simm.s32 @!p0 $0x0  }
0x12: {  	s1 =	sld [smem:$0x3F9E];
	s0 =	simm.s32 @p0 $0x1  }
0x13: {  	[smem:$0x3FB9] =	sst s0;
	s0 =	simm.s32 @!p1 $0x0  }
0x14: {  	s2 =	sld [smem:$0x3F9D];
	s0 =	simm.s32 @p1 $0x1  }
0x15: {  	[smem:$0x3FBA] =	sst s0;
	s0 =	simm.s32 @!p2 $0x0  }
0x16: {  	s3 =	sld [smem:$0x3FDB];
	s0 =	simm.s32 @p2 $0x1  }
0x17: {  	s4 =	simm.s32 $0x1BF5;
	[smem:$0x3FBC] =	sst s0  }
0x18: {  	s0 =	sld [smem:$0x3F9F];
	_ =	swait.ge [sflag:s4], $0x0  }
0x19: {  	s7 =	sld [smem:$0x3FA0]  }
0x1a: {  	s8 =	sadd.s32 $0xFFFFE003, lr  }
0x1b: {  	s9 =	sadd.s32 $0xFFFFFEF7, lr;
	s5 =	simm.s32 $0xFFFFFFFF;
	p2 =	slt.u32 s8, $0xFFFFF086  }
0x1c: {  	p1 =	slt.u32 s9, $0xF7A;
	s5 =	simm.s32 @!p2 $0x0  }
0x1d: {  	s5 =	simm.s32 @p1 $0x1;
	p0 =	seq.s32 s7, s2  }
0x1e: {  	s7 =	smul.u32 @!p0 $0xF7A, s2;
	p2 =	seq.s32 @!p0 s5, $0x0  }
0x1f: {  	s9 =	smul.u32 $0xF7A, s1;
	s8 =	simm.s32 @!p0 $0x1BF5;
	p2 =	por !p2, p0  }
0x20: {  	[sflag:s8] =	ssyncset.s32 @!p0 $0xFFFFF086;
	s6 =	sadd.s32 @!p0 s3, s7;
	s7 =	simm.s32 @!p0 $0x108  }
0x21: {  	s3 =	sadd.s32 s3, s9;
	s6 =	sadd.s32 @!p0 $0x88, s6;
	s7 =	simm.s32 @p2 $0x1082  }
0x22: {  	[simem:s7], [sflag:s8] =	dma.local @!p0 [hbm:s6], $0xF7A  }
0x23: {  	s9 =	sor.u32 $0xD0000000, s2;
	s6 =	simm.s32 $0x108;
	_ =	swait.ge @!p0 [sflag:s8], $0x0  }
0x24: {  	s3 =	sadd.s32 $0x88, s3;
	s6 =	simm.s32 @!p1 $0x1082;
	[sflag:s4] =	ssyncset.s32 $0xFFFFF086  }
0x25: {  	[simem:s6], [sflag:s4] =	dma.local [hbm:s3], $0xF7A  }
0x26: {  	[smem:$0x3FA0] =	sst s1;
	(tag) =	ssettag s2;
	_ =	strace s9  }
0x27: {  	s1 =	sld [smem:$0x3FB0]  }
0x28: {  	s2 =	sld [smem:$0x3FB1]  }
0x29: {  	s4 =	sld [smem:$0x3FB3]  }
0x2a: {  	p0 =	seq.s32 s5, $0x0;
	s5 =	sld [smem:$0x3FB4]  }
0x2b: {  	s6 =	sld [smem:$0x3FB5]  }
0x2c: {  	s7 =	sld [smem:$0x3FB6]  }
0x2d: {  	s3 =	simm.s32 $0x108;
	s8 =	sld [smem:$0x3FB7]  }
0x2e: {  	s3 =	simm.s32 @!p0 $0x1082;
	s9 =	sld [smem:$0x3FB8]  }
0x2f: {  	lr =	sadd.s32 s0, s3;
	s0 =	sld [smem:$0x3FAF]  }
0x30: {  	s3 =	sld [smem:$0x3FB2]  }
0x31: {  	[smem:$0x3FBB] =	sst s10  }
0x32: {  	s10 =	sld [smem:$0x3FB9];
	_ =	sdelay $0x3  }
0x33: {  	p0 =	seq.s32 s10, $0x1;
	s10 =	sld [smem:$0x3FBB];
	_ =	sdelay $0x3  }
0x34: {  	[smem:$0x3FBB] =	sst s10  }
0x35: {  	s10 =	sld [smem:$0x3FBA];
	_ =	sdelay $0x3  }
0x36: {  	p1 =	seq.s32 s10, $0x1;
	s10 =	sld [smem:$0x3FBB];
	_ =	sdelay $0x3  }
0x37: {  	[smem:$0x3FBB] =	sst s10  }
0x38: {  	s10 =	sld [smem:$0x3FBC]  }
0x39: {  	_ = 	snop;
	(pc) =	sbr.ind lr, $3  }
0x3a: {  	_ = 	snop  }
0x3b: {  	_ = 	snop  }
0x3c: {  	p2 =	seq.s32 s10, $0x1;
	s10 =	sld [smem:$0x3FBB]  }
0x3d: {  	_ =	shalt  }
0x3e: {  	_ =	shalt  }
0x3f: {  	_ =	shalt  }
0x40: {  	_ =	shalt  }
0x41: {  	_ =	shalt  }
0x42: {  	_ =	shalt  }
0x43: {  	_ =	shalt  }
0x44: {  	_ =	shalt  }
0x45: {  	_ =	shalt  }
0x46: {  	_ =	shalt  }
0x47: {  	_ =	shalt  }
0x48: {  	_ =	shalt  }
0x49: {  	_ =	shalt  }
0x4a: {  	_ =	shalt  }
0x4b: {  	_ =	shalt  }
0x4c: {  	_ =	shalt  }
0x4d: {  	_ =	shalt  }
0x4e: {  	_ =	shalt  }
0x4f: {  	_ =	shalt  }
0x50: {  	_ =	shalt  }
0x51: {  	_ =	shalt  }
0x52: {  	_ =	shalt  }
0x53: {  	_ =	shalt  }
0x54: {  	_ =	shalt  }
0x55: {  	_ =	shalt  }
0x56: {  	_ =	shalt  }
0x57: {  	_ =	shalt  }
0x58: {  	_ =	shalt  }
0x59: {  	_ =	shalt  }
0x5a: {  	_ =	shalt  }
0x5b: {  	_ =	shalt  }
0x5c: {  	_ =	shalt  }
0x5d: {  	_ =	shalt  }
0x5e: {  	_ =	shalt  }
0x5f: {  	_ =	shalt  }
0x60: {  	_ =	shalt  }
0x61: {  	_ =	shalt  }
0x62: {  	_ =	shalt  }
0x63: {  	_ =	shalt  }
0x64: {  	_ =	shalt  }
0x65: {  	_ =	shalt  }
0x66: {  	_ =	shalt  }
0x67: {  	_ =	shalt  }
0x68: {  	_ =	shalt  }
0x69: {  	_ =	shalt  }
0x6a: {  	_ =	shalt  }
0x6b: {  	_ =	shalt  }
0x6c: {  	_ =	shalt  }
0x6d: {  	_ =	shalt  }
0x6e: {  	_ =	shalt  }
0x6f: {  	_ =	shalt  }
0x70: {  	_ =	shalt  }
0x71: {  	_ =	shalt  }
0x72: {  	_ =	shalt  }
0x73: {  	_ =	shalt  }
0x74: {  	_ =	shalt  }
0x75: {  	_ =	shalt  }
0x76: {  	_ =	shalt  }
0x77: {  	_ =	shalt  }
0x78: {  	_ =	shalt  }
0x79: {  	_ =	shalt  }
0x7a: {  	_ =	shalt  }
0x7b: {  	_ =	shalt  }
0x7c: {  	_ =	shalt  }
0x7d: {  	_ =	shalt  }
0x7e: {  	_ =	shalt  }
0x7f: {  	_ =	shalt  }
0x80: {  	_ =	shalt  }
0x81: {  	_ =	shalt  }
0x82: {  	_ =	shalt  }
0x83: {  	_ =	shalt  }
0x84: {  	_ =	shalt  }
0x85: {  	_ =	shalt  }
0x86: {  	_ =	shalt  }
0x87: {  	_ =	shalt  }
.Lfunc_end0:
.L_simem_size_0:
called_computation_lowered:
.L_overlay_start_0:
0x88: {  	s2 =	sld [smem:$0x3FD9]  }
0x89: {  	s3 =	sld [smem:$0x3FFE];
	_ =	sdelay $0x1  }
0x8a: {  	s1 =	srdreg.scid  }
0x8b: {  	s0 =	sand.u32 $0x1, s1  }
0x8c: {  	s18 =	sshll.u32 s0, $0xA;
	s2 =	sadd.s32 s3, s2  }
0x8d: {  	s2 =	sadd.s32 s2, s18  }
0x8e: {  	[smem:$0x3FC7] =	sst s2  }
0x8f: {  	_ = 	snop  }
0x90: {  	s2 =	sld [smem:$0x3FC9]  }
0x91: {  	s19 =	sld [smem:$0x3FD0];
	(tm) =	ssettm $0x1  }
0x92: {  	s4 =	sld [smem:$0x3FFB];
	_ =	sdelay $0x3  }
0x93: {  	_ =	strace s4  }
0x94: {  	s4 =	sld [smem:$0x3FFC];
	_ =	sdelay $0x3  }
0x95: {  	_ =	strace s4  }
0x96: {  	s4 =	sld [smem:$0x3FFD];
	_ =	sdelay $0x3  }
0x97: {  	_ =	strace s4  }
0x98: {  	_ =	strace $0x8FFFFFFF  }
0x99: {  	s20 =	sld [smem:$0x3FDB];
	_ =	sdelay $0x1  }
0x9a: {  	s5 =	simm.s32 $_scs_section_size  }
0x9b: {  	s6 =	simm.s32 $_size__tile_overlayer_lowered;
	s7 =	simm.s32 $_tile_overlayer_lowered  }
0x9c: {  	s23 =	simm.s32 $0x1BFF;
	s22 =	sshll.u32 s7, $0x1;
	s4 =	sadd.s32 s5, s20  }
0x9d: {  	s8 =	simm.s32 $0x0;
	s21 =	sshll.u32 s6, $0x1;
	s6 =	sadd.s32 s22, s4  }
0x9e: {  	[timem:s8], [sflag:s23] =	dma.local [hbm:s6], s21  }
0x9f: {  	_ =	swait.ge [sflag:s23], s21  }
0xa0: {  	s5 =	ssub.s32 $0x0, s21;
	[sflag:s23] =	ssyncset.done $0x0  }
0xa1: {  	[sflag:s23] =	ssyncadd.s32 s5;
	_ =	sdelay $0x1  }
0xa2: {  	s24 =	simm.s32 $0x1B8B  }
0xa3: {  	_ =	swait.ge [sflag:s24], $0x1  }
0xa4: {  	[sflag:s24] =	ssyncset.done $0x0  }
0xa5: {  	s25 =	simm.s32 $0x1B8E;
	[sflag:s24] =	ssyncadd.s32 $0xFFFFFFFF  }
0xa6: {  	s26 =	simm.s32 $execute0_lowered;
	[smem:$0x3FD2] =	sst s25  }
0xa7: {  	s5 =	sshll.u32 s26, $0x1;
	_ =	strace $0x80000046;
	[dreg:$0x1] =	wrdreg $0xFFFFFFFF  }
0xa8: {  	s28 =	simm.s32 $_size_execute0_lowered;
	s4 =	sadd.s32 s4, s5;
	[dreg:$0x0] =	wrdreg $0x0  }
0xa9: {  	s5 =	sshll.u32 s28, $0x1;
	[dreg:$0x2] =	wrdreg s4  }
0xaa: {  	[dreg:$0x3] =	wrdreg s5  }
0xab: {  	[dreg:$0x4] =	wrdreg $0xC0  }
0xac: {  	_ =	task [dreg:s8], $0x5FFFF  }
0xad: {  	[dreg:$0x1] =	wrdreg $0xFFFFFFFF  }
0xae: {  	[dreg:$0x0] =	wrdreg $0x60  }
0xaf: {  	[dreg:$0x2] =	wrdreg s2  }
0xb0: {  	[dreg:$0x3] =	wrdreg s19  }
0xb1: {  	[dreg:$0x4] =	wrdreg $0x9  }
0xb2: {  	_ =	task.clear_ibuf [dreg:s8], $0x5FFFF;
	_ =	strace $0x90000046  }
0xb3: {  	s29 =	simm.s32 $0x9;
	_ =	strace $0x80000048  }
0xb4: {  	_ =	swait.ge [sflag:s29], $0x1  }
0xb5: {  	[sflag:s29] =	ssyncadd.s32 $0xFFFFFFFF  }
0xb6: {  	_ =	strace $0x90000048  }
0xb7: {  	_ =	sfence  }
0xb8: {  	s30 =	sld [smem:$0x0];
	_ =	sdelay $0x2  }
0xb9: {  	s31 =	sshll.u32 s1, $0xD;
	s1 =	sshrl.u32 s1, $0x2  }
0xba: {  	s3 =	sand.u32 $0x4000, s31;
	s1 =	sadd.s32 s1, s30  }
0xbb: {  	s0 =	sor.u32 s3, s0;
	s1 =	sshll.u32 s1, $0x11  }
0xbc: {  	s0 =	sor.u32 s1, s0  }
0xbd: {  	s0 =	sadd.s32 $0x8F2B, s0  }
0xbe: {  	[sflag:s0] =	ssyncadd.remote.s32 $0x1  }
0xbf: {  	_ =	sfence.sel $0xFFFF  }
0xc0: {  	[dreg:$0x0] =	wrdreg $0xFFFFFFFF;
	(pc) =	sbr.abs _section_cstart, $3  }
0xc1: {  	[dreg:$0x1] =	wrdreg $0xFFFFFFFF  }
0xc2: {  	_ =	task.clear_ibuf [dreg:s8], $0x2FFFF;
	_ =	strace $0x9FFFFFFF  }
0xc3: {  	(tm) =	ssettm $0x7FFFFFFF  }
tec
execute0_lowered:
.L_overlay_start_1:
0x0: {  	(tag) =	ssettag $0x1  }
0x1: {  	s3 =	rddreg [dreg:$0x0]  }
0x2: {  	s4 =	rddreg [dreg:$0x1]  }
0x3: {  	s2 =	srdreg.scid;
	s1 =	stileid.u32  }
0x4: {  	s0 =	rddreg [dreg:$0x2];
	s5 =	sand.u32 $0x1, s2;
	s6 =	sshll.u32 s1, $0x1  }
0x5: {  	s2 =	simm.s32 $0x0;
	s7 =	ssub.s32 $0x2, s5;
	s5 =	sor.u32 s5, s6  }
0x6: {  	[smem:$0x7FF] =	sst s2;
	s31 =	sshrl.u32 s7, $0x1;
	s8 =	smul.u32 $0x1C0, s5  }
0x7: {  	_ =	strace $0x80000047;
	s5 =	sshll.u32 s5, $0x6;
	s6 =	ssub.s32 s7, s31  }
0x8: {  	v1 =	vlaneseq.u32;
	s3 =	sadd.s32 s3, s5;
	s7 =	simm.s32 $0x200;
	s4 =	sadd.s32 s4, s8  }
0x9: {  	v0 =	vimm.f32 $1.666666750e-02;
	v2 =	vimm.f32 $8.999999760e-01;
	v1 =	vmul.u32 $0x7, v1;
	s5 =	smax.u32 s6, $0x1;
	s6 =	simm.s32 $0x1;
	s8 =	simm.s32 $0x0  }
.LBB2_1:
0xa: {  	[tilespmem:s2], [sflag:$0x1] =	stream.linear.gather [hbm4b:s3+s2], $0x200, $0x38;
	[tilespmem:$0x1000] =	vst v63  }
0xb: {  	_ =	swait.ge [sflag:s6], $0x200  }
0xc: {  	s9 =	simm.s32 $0xFFFFFFFC;
	s10 =	simm.s32 $0x2E0;
	[sflag:s6] =	ssyncset.done $0x0  }
0xd: {  	s11 =	simm.s32 $0x20;
	s12 =	simm.s32 $0x0;
	[sflag:s6] =	ssyncadd.s32 $0xFFFFFE00  }
.LBB2_2:
0xe: {  	[tilespmem:s10+$0xFFFFFF20] =	vst v0  }
0xf: {  	[tilespmem:s10+$0xFFFFFF30] =	vst v0  }
0x10: {  	[tilespmem:s10+$0xFFFFFF40] =	vst v0  }
0x11: {  	[tilespmem:s10+$0xFFFFFF50] =	vst v0  }
0x12: {  	[tilespmem:s10+$0xFFFFFF60] =	vst v0  }
0x13: {  	[tilespmem:s10+$0xFFFFFF70] =	vst v0  }
0x14: {  	[tilespmem:s10+$0xFFFFFF80] =	vst v0  }
0x15: {  	v3 =	vld [tilespmem:s11+$0xFFFFFFE0];
	_ =	sdelay $0x4  }
0x16: {  	v3 =	vadd.s32 s12, v3  }
0x17: {  	v3 =	vadd.s32 v1, v3;
	_ =	sdelay $0x4  }
0x18: {  	[tilespmem:v3+s7+$0x0] =	vst.idx.msk $0xffff, v2  }
0x19: {  	[tilespmem:s10+$0xFFFFFF90] =	vst v0  }
0x1a: {  	[tilespmem:s10+$0xFFFFFFA0] =	vst v0  }
0x1b: {  	[tilespmem:s10+$0xFFFFFFB0] =	vst v0  }
0x1c: {  	[tilespmem:s10+$0xFFFFFFC0] =	vst v0  }
0x1d: {  	[tilespmem:s10+$0xFFFFFFD0] =	vst v0  }
0x1e: {  	[tilespmem:s10+$0xFFFFFFE0] =	vst v0  }
0x1f: {  	[tilespmem:s10+$0xFFFFFFF0] =	vst v0  }
0x20: {  	v3 =	vld [tilespmem:s11+$0xFFFFFFF0];
	_ =	sdelay $0x3  }
0x21: {  	s13 =	sadd.s32 $0x70, s12  }
0x22: {  	v3 =	vadd.s32 s13, v3  }
0x23: {  	v3 =	vadd.s32 v1, v3;
	_ =	sdelay $0x4  }
0x24: {  	[tilespmem:v3+s7+$0x0] =	vst.idx.msk $0xffff, v2  }
0x25: {  	[tilespmem:s10+$0x0] =	vst v0  }
0x26: {  	[tilespmem:s10+$0x10] =	vst v0  }
0x27: {  	[tilespmem:s10+$0x20] =	vst v0  }
0x28: {  	[tilespmem:s10+$0x30] =	vst v0  }
0x29: {  	[tilespmem:s10+$0x40] =	vst v0  }
0x2a: {  	[tilespmem:s10+$0x50] =	vst v0  }
0x2b: {  	[tilespmem:s10+$0x60] =	vst v0  }
0x2c: {  	v3 =	vld [tilespmem:s11+$0x0];
	_ =	sdelay $0x3  }
0x2d: {  	s30 =	sadd.s32 $0xE0, s12  }
0x2e: {  	v3 =	vadd.s32 s30, v3  }
0x2f: {  	v3 =	vadd.s32 v1, v3;
	_ =	sdelay $0x4  }
0x30: {  	[tilespmem:v3+s7+$0x0] =	vst.idx.msk $0xffff, v2  }
0x31: {  	[tilespmem:s10+$0x70] =	vst v0  }
0x32: {  	[tilespmem:s10+$0x80] =	vst v0  }
0x33: {  	[tilespmem:s10+$0x90] =	vst v0  }
0x34: {  	[tilespmem:s10+$0xA0] =	vst v0  }
0x35: {  	[tilespmem:s10+$0xB0] =	vst v0  }
0x36: {  	[tilespmem:s10+$0xC0] =	vst v0  }
0x37: {  	[tilespmem:s10+$0xD0] =	vst v0  }
0x38: {  	v3 =	vld [tilespmem:s11+$0x10];
	_ =	sdelay $0x3  }
0x39: {  	s31 =	sadd.s32 $0x150, s12  }
0x3a: {  	s9 =	sadd.s32 $0x4, s9;
	v3 =	vadd.s32 s31, v3  }
0x3b: {  	p0 =	slt.u32 s9, $0x1C;
	v3 =	vadd.s32 v1, v3  }
.Ltmp0:
0x3c: {  	_ = 	snop;
	(pc) =	sbr.rel @p0 .LBB2_2-.Ltmp0, $2  }
0x3d: {  	_ =	sdelay $0x2  }
0x3e: {  	s12 =	sadd.s32 $0x1C0, s12;
	s10 =	sadd.s32 $0x1C0, s10;
	s11 =	sadd.s32 $0x40, s11;
	[tilespmem:v3+s7+$0x0] =	vst.idx.msk $0xffff, v2  }
0x3f: {  	s8 =	sadd.s32 $0x1, s8  }
0x40: {  	p0 =	sne.s32 s8, s5  }
.Ltmp1:
0x41: {  	_ = 	snop;
	(pc) =	sbr.rel @p0 .LBB2_1-.Ltmp1, $4  }
0x42: {  	[hbm4b:s4+s2] =	stream.linear.scatter [tilespmem:s7], [sflag:$0x1], $0xE00, $0x38;
	[tilespmem:$0x1000] =	vst v63  }
0x43: {  	_ =	swait.ge [sflag:s6], $0xE00  }
0x44: {  	[sflag:s6] =	ssyncset.done $0x0  }
0x45: {  	[sflag:s6] =	ssyncadd.s32 $0xFFFFF200  }
0x46: {  	_ =	sfence.sel $0x180000  }
0x47: {  	[bflag:$0x0] =	sbarrier.arrive $0xFFFF  }
0x48: {  	p0 =	sne.s32 s1, $0x0;
	_ =	strace $0x90000047  }
0x49: {  	s0 =	sadd.s32 @!p0 $0x100000, s0;
	[bflag:$0x2] =	sbarrier.arrive $0xFFFF  }
0x4a: {  	[sflag:s0] =	ssyncadd.tile.s32 @!p0 $0x1;
	_ =	shalt  }
.Lfunc_end2:
_tile_overlayer_lowered:
.L_overlay_start_2:
0x4b: {  	(tag) =	ssettag $0x2  }
0x4c: {  	s0 =	rddreg [dreg:$0x0];
	s2 =	stileid.u32  }
0x4d: {  	s1 =	rddreg [dreg:$0x1];
	p0 =	sne.s32 s2, $0x0  }
0x4e: {  	s3 =	rddreg [dreg:$0x2];
	[bflag:$0x3] =	sbarrier.arrive $0xFFFF;
	s2 =	simm.s32 @!p0 $0x1C01  }
0x4f: {  	[timem:s3], [sflag:s2] =	dma.local @!p0 [hbm:s0], s1  }
0x50: {  	s0 =	simm.s32 @!p0 $0x1  }
0x51: {  	_ =	swait.ge @!p0 [sflag:s0], s1  }
0x52: {  	s1 =	ssub.s32 @!p0 $0x0, s1;
	[sflag:s0] =	ssyncset.done @!p0 $0x0  }
0x53: {  	[sflag:s0] =	ssyncadd.s32 @!p0 s1  }
0x54: {  	[bflag:$0x3] =	sbarrier.arrive $0xFFFF  }
0x55: {  	_ =	shalt  }

</sc_bundles>
